<compile_context>
chip_gen: v7x
topology: tpu7x:2x2x1
jax: 0.10.2.dev20260603
libtpu: 0.0.44.dev20260713+nightly
codegen_flags: <defaults>
</compile_context>

<pallas_src>
import jax
import jax.numpy as jnp
from jax.experimental import pallas as pl

_N_PAD = 2048
_PRE = 2000
_POST = 1000
_OUT_PAD = 1024
_THR = 0.7
_MINSZ = 0.001
_IMG_H = 1024.0
_IMG_W = 1024.0


def _nms_kernel(bt_ref, s_ref, out_ref):
    x1 = jnp.clip(bt_ref[0:1, :], 0.0, _IMG_W)
    y1 = jnp.clip(bt_ref[1:2, :], 0.0, _IMG_H)
    x2 = jnp.clip(bt_ref[2:3, :], 0.0, _IMG_W)
    y2 = jnp.clip(bt_ref[3:4, :], 0.0, _IMG_H)
    s0 = s_ref[0:1, :]
    ws = x2 - x1
    hs = y2 - y1
    valid = (ws >= _MINSZ) & (hs >= _MINSZ)
    s = jnp.where(valid, s0, -jnp.inf)
    area = ws * hs
    validf = jnp.isfinite(s).astype(jnp.float32)

    ir = jax.lax.broadcasted_iota(jnp.int32, (_N_PAD, _N_PAD), 0)
    ic = jax.lax.broadcasted_iota(jnp.int32, (_N_PAD, _N_PAD), 1)
    x4 = jnp.concatenate([x1, y1, x2, y2], axis=0)
    xt = jnp.transpose(x4, (1, 0))
    x1c = xt[:, 0:1]
    y1c = xt[:, 1:2]
    x2c = xt[:, 2:3]
    y2c = xt[:, 3:4]
    areac = (x2c - x1c) * (y2c - y1c)
    iw = jnp.maximum(jnp.minimum(x2c, x2) - jnp.maximum(x1c, x1), 0.0)
    ih = jnp.maximum(jnp.minimum(y2c, y2) - jnp.maximum(y1c, y1), 0.0)
    inter = iw * ih
    iou = inter / (areac + area - inter + 1e-9)
    d = ((iou > _THR) & (ir < ic)).astype(jnp.bfloat16)

    def cond(c):
        return c[1]

    validb = validf.astype(jnp.bfloat16)

    def fbody(c):
        keep, _ = c
        t = jax.lax.dot_general(keep, d, (((1,), (0,)), ((), ())),
                                preferred_element_type=jnp.float32)
        new = jnp.where(t > 0.5, jnp.bfloat16(0), validb)
        ndiff = jnp.sum(jnp.abs(new.astype(jnp.float32)
                                - keep.astype(jnp.float32)))
        return new, ndiff > 0.5

    keepb, _ = jax.lax.while_loop(cond, fbody, (validb, True))
    keepf = keepb.astype(jnp.float32)
    suppf = validf * (1.0 - keepf)
    invf = 1.0 - validf
    nk = jnp.sum(keepf)
    ns = jnp.sum(suppf)

    su = (ir < ic).astype(jnp.bfloat16)
    f3 = jnp.concatenate([keepf, suppf, invf], axis=0).astype(jnp.bfloat16)
    p3 = jax.lax.dot_general(f3, su, (((1,), (0,)), ((), ())),
                             preferred_element_type=jnp.float32)
    rank = (keepf * p3[0:1, :]
            + suppf * (nk + p3[1:2, :])
            + invf * (nk + ns + p3[2:3, :]))

    s_m = jnp.where(jnp.isfinite(s), s, 0.0)
    wm = jnp.concatenate(
        [x1, y1, x2, y2, s_m, jnp.zeros((3, _N_PAD), jnp.float32)], axis=0)
    g = (jax.lax.broadcasted_iota(jnp.int32, (_OUT_PAD, _N_PAD), 0)
         .astype(jnp.float32) == rank).astype(jnp.float32)
    out = jax.lax.dot_general(g, wm, (((1,), (1,)), ((), ())),
                              precision=jax.lax.Precision.HIGHEST)
    r_iota = jax.lax.broadcasted_iota(jnp.int32, (_OUT_PAD, 8), 0)
    c_iota = jax.lax.broadcasted_iota(jnp.int32, (_OUT_PAD, 8), 1)
    out = jnp.where((c_iota == 4) & (r_iota.astype(jnp.float32) >= nk),
                    -jnp.inf, out)
    out_ref[...] = out


def kernel(boxes, scores):
    s_top, idx = jax.lax.top_k(scores, _PRE)
    b = jnp.take(boxes, idx, axis=0)
    bt = jnp.transpose(b)
    bt = jnp.pad(bt, ((0, 0), (0, _N_PAD - _PRE)))
    sp = jnp.pad(s_top, (0, _N_PAD - _PRE), constant_values=-jnp.inf)[None, :]
    out = pl.pallas_call(
        _nms_kernel,
        out_shape=jax.ShapeDtypeStruct((_OUT_PAD, 8), jnp.float32),
    )(bt, sp)
    return out[:_POST, :4], out[:_POST, 4]

# --- scband reference (transcript-rebuilt; emitter-appended) ---
"""Pipeline reference for scband-rpn-64785286693338 (READ-ONLY COPY).

The authoritative reference and input builder live on the scoring server;
editing this copy changes nothing except your own understanding.
"""

import jax, jax.numpy as jnp
import numpy as np

N = 20000
PRE_NMS_TOP_N = 2000
POST_NMS_TOP_N = 1000
NMS_THRESH = 0.7
MIN_SIZE = 0.001
IMG_H = 1024.0
IMG_W = 1024.0


def setup_inputs(seed: int = 0) -> dict:
    key = jax.random.key(seed)
    k1, k2 = jax.random.split(key)
    raw = jax.random.uniform(k1, (N, 4), dtype=jnp.float32)
    # build xyxy boxes in image coordinates (like decoded RPN proposals)
    x1 = raw[:, 0] * IMG_W
    y1 = raw[:, 1] * IMG_H
    x2 = x1 + raw[:, 2] * 256.0
    y2 = y1 + raw[:, 3] * 256.0
    boxes = jnp.stack([x1, y1, x2, y2], axis=1)
    scores = jax.random.normal(k2, (N,), dtype=jnp.float32)
    return {"boxes": boxes, "scores": scores}


def box_iou(b1, b2):
    area1 = (b1[:, 2] - b1[:, 0]) * (b1[:, 3] - b1[:, 1])
    area2 = (b2[:, 2] - b2[:, 0]) * (b2[:, 3] - b2[:, 1])
    lt = jnp.maximum(b1[:, None, :2], b2[None, :, :2])
    rb = jnp.minimum(b1[:, None, 2:], b2[None, :, 2:])
    wh = jnp.clip(rb - lt, 0.0)
    inter = wh[..., 0] * wh[..., 1]
    return inter / (area1[:, None] + area2[None, :] - inter + 1e-9)


def reference(boxes, scores):
    # RPN.filter_proposals core: pre-NMS top-k -> clip -> remove small -> NMS -> post-NMS top-k
    s_top, idx = jax.lax.top_k(scores, PRE_NMS_TOP_N)
    b = jnp.take(boxes, idx, axis=0)
    # clip_boxes_to_image
    b = jnp.stack([
        jnp.clip(b[:, 0], 0.0, IMG_W),
        jnp.clip(b[:, 1], 0.0, IMG_H),
        jnp.clip(b[:, 2], 0.0, IMG_W),
        jnp.clip(b[:, 3], 0.0, IMG_H),
    ], axis=1)
    # remove_small_boxes (mask out by setting score to -inf)
    ws = b[:, 2] - b[:, 0]
    hs = b[:, 3] - b[:, 1]
    valid = (ws >= MIN_SIZE) & (hs >= MIN_SIZE)
    s = jnp.where(valid, s_top, -jnp.inf)
    # sort by score descending for NMS
    order = jnp.argsort(-s)
    b = jnp.take(b, order, axis=0)
    s = jnp.take(s, order)
    iou = jax.lax.stop_gradient(box_iou(b, b))
    keep0 = jnp.isfinite(s)
    rng = jnp.arange(PRE_NMS_TOP_N)

    def body(i, keep):
        suppress = (iou[i] > NMS_THRESH) & keep[i] & (rng > i)
        return keep & (~suppress)

    keep = jax.lax.fori_loop(0, PRE_NMS_TOP_N, body, keep0)
    kept_s = jnp.where(keep, s, -jnp.inf)
    final_scores, fidx = jax.lax.top_k(kept_s, POST_NMS_TOP_N)
    final_boxes = jnp.take(b, fidx, axis=0)
    return final_boxes, final_scores

if __name__ == "__main__":
    import jax
    _d = setup_inputs()
    print(jax.jit(kernel)(*tuple(_d.values())))

</pallas_src>

<mosaic_0001>
module attributes {stable_mosaic.version = 14 : i64} {
  func.func @_nms_kernel(%arg0: memref<4x2048xf32, #tpu.memory_space<vmem>>, %arg1: memref<1x2048xf32, #tpu.memory_space<vmem>>, %arg2: memref<1024x8xf32, #tpu.memory_space<vmem>>) attributes {dimension_semantics = [], scalar_prefetch = 0 : i64, scratch_operands = 0 : i64, tpu.core_type = #tpu.core_type<tc>} {
    %get3A = arith.constant 0 : index
    %get3A_0 = arith.constant 0 : index
    %get3A_1 = vector.load %arg0[%get3A, %get3A_0] : memref<4x2048xf32, #tpu.memory_space<vmem>>, vector<1x2048xf32>
    %jit3A = arith.constant 0.000000e+00 : f32
    %jit3A_2 = arith.constant 1.024000e+03 : f32
    %max3A = vector.broadcast %jit3A : f32 to vector<1x2048xf32>
    %max3A_3 = arith.maximumf %max3A, %get3A_1 : vector<1x2048xf32>
    %min3A = vector.broadcast %jit3A_2 : f32 to vector<1x2048xf32>
    %min3A_4 = arith.minimumf %min3A, %max3A_3 : vector<1x2048xf32>
    %get3A_5 = arith.constant 1 : index
    %get3A_6 = arith.constant 0 : index
    %get3A_7 = vector.load %arg0[%get3A_5, %get3A_6] : memref<4x2048xf32, #tpu.memory_space<vmem>>, vector<1x2048xf32>
    %jit3A_8 = arith.constant 0.000000e+00 : f32
    %jit3A_9 = arith.constant 1.024000e+03 : f32
    %max3A_10 = vector.broadcast %jit3A_8 : f32 to vector<1x2048xf32>
    %max3A_11 = arith.maximumf %max3A_10, %get3A_7 : vector<1x2048xf32>
    %min3A_12 = vector.broadcast %jit3A_9 : f32 to vector<1x2048xf32>
    %min3A_13 = arith.minimumf %min3A_12, %max3A_11 : vector<1x2048xf32>
    %get3A_14 = arith.constant 2 : index
    %get3A_15 = arith.constant 0 : index
    %get3A_16 = vector.load %arg0[%get3A_14, %get3A_15] : memref<4x2048xf32, #tpu.memory_space<vmem>>, vector<1x2048xf32>
    %jit3A_17 = arith.constant 0.000000e+00 : f32
    %jit3A_18 = arith.constant 1.024000e+03 : f32
    %max3A_19 = vector.broadcast %jit3A_17 : f32 to vector<1x2048xf32>
    %max3A_20 = arith.maximumf %max3A_19, %get3A_16 : vector<1x2048xf32>
    %min3A_21 = vector.broadcast %jit3A_18 : f32 to vector<1x2048xf32>
    %min3A_22 = arith.minimumf %min3A_21, %max3A_20 : vector<1x2048xf32>
    %get3A_23 = arith.constant 3 : index
    %get3A_24 = arith.constant 0 : index
    %get3A_25 = vector.load %arg0[%get3A_23, %get3A_24] : memref<4x2048xf32, #tpu.memory_space<vmem>>, vector<1x2048xf32>
    %jit3A_26 = arith.constant 0.000000e+00 : f32
    %jit3A_27 = arith.constant 1.024000e+03 : f32
    %max3A_28 = vector.broadcast %jit3A_26 : f32 to vector<1x2048xf32>
    %max3A_29 = arith.maximumf %max3A_28, %get3A_25 : vector<1x2048xf32>
    %min3A_30 = vector.broadcast %jit3A_27 : f32 to vector<1x2048xf32>
    %min3A_31 = arith.minimumf %min3A_30, %max3A_29 : vector<1x2048xf32>
    %get3A_32 = arith.constant 0 : index
    %get3A_33 = arith.constant 0 : index
    %get3A_34 = vector.load %arg1[%get3A_32, %get3A_33] : memref<1x2048xf32, #tpu.memory_space<vmem>>, vector<1x2048xf32>
    %sub3A = arith.subf %min3A_22, %min3A_4 : vector<1x2048xf32>
    %sub3A_35 = arith.subf %min3A_31, %min3A_13 : vector<1x2048xf32>
    %ge3A = arith.constant 1.000000e-03 : f32
    %ge3A_36 = vector.broadcast %ge3A : f32 to vector<1x2048xf32>
    %ge3A_37 = arith.cmpf oge, %sub3A, %ge3A_36 : vector<1x2048xf32>
    %ge3A_38 = arith.constant 1.000000e-03 : f32
    %ge3A_39 = vector.broadcast %ge3A_38 : f32 to vector<1x2048xf32>
    %ge3A_40 = arith.cmpf oge, %sub3A_35, %ge3A_39 : vector<1x2048xf32>
    %and3A = arith.andi %ge3A_37, %ge3A_40 : vector<1x2048xi1>
    %jit3A_41 = arith.constant 0xFF800000 : f32
    %broadcast_in_dim3A = vector.broadcast %jit3A_41 : f32 to vector<1x2048xf32>
    %select_n3A = arith.select %and3A, %get3A_34, %broadcast_in_dim3A : vector<1x2048xi1>, vector<1x2048xf32>
    %mul3A = arith.mulf %sub3A, %sub3A_35 : vector<1x2048xf32>
    %is_finite3A = tpu.weird %select_n3A : vector<1x2048xf32> -> vector<1x2048xi1>
    %is_finite3A_42 = arith.constant dense<true> : vector<1x2048xi1>
    %is_finite3A_43 = arith.xori %is_finite3A, %is_finite3A_42 : vector<1x2048xi1>
    %convert_element_type3A = arith.extui %is_finite3A_43 : vector<1x2048xi1> to vector<1x2048xi32>
    %convert_element_type3A_44 = arith.sitofp %convert_element_type3A : vector<1x2048xi32> to vector<1x2048xf32>
    %iota3A = tpu.iota {dimensions = array<i32: 0>} : vector<2048x2048xi32>
    %iota3A_45 = tpu.iota {dimensions = array<i32: 1>} : vector<2048x2048xi32>
    %concatenate3A = tpu.concatenate %min3A_4, %min3A_13, %min3A_22, %min3A_31 in 0 : vector<1x2048xf32>, vector<1x2048xf32>, vector<1x2048xf32>, vector<1x2048xf32> -> vector<4x2048xf32>
    %transpose3A = tpu.transpose %concatenate3A, [1, 0] : vector<4x2048xf32> -> vector<2048x4xf32>
    %slice3A = vector.extract_strided_slice %transpose3A {offsets = [0, 0], sizes = [2048, 1], strides = [1, 1]} : vector<2048x4xf32> to vector<2048x1xf32>
    %slice3A_46 = vector.extract_strided_slice %transpose3A {offsets = [0, 1], sizes = [2048, 1], strides = [1, 1]} : vector<2048x4xf32> to vector<2048x1xf32>
    %slice3A_47 = vector.extract_strided_slice %transpose3A {offsets = [0, 2], sizes = [2048, 1], strides = [1, 1]} : vector<2048x4xf32> to vector<2048x1xf32>
    %slice3A_48 = vector.extract_strided_slice %transpose3A {offsets = [0, 3], sizes = [2048, 1], strides = [1, 1]} : vector<2048x4xf32> to vector<2048x1xf32>
    %sub3A_49 = arith.subf %slice3A_47, %slice3A : vector<2048x1xf32>
    %sub3A_50 = arith.subf %slice3A_48, %slice3A_46 : vector<2048x1xf32>
    %mul3A_51 = arith.mulf %sub3A_49, %sub3A_50 : vector<2048x1xf32>
    %min3A_52 = vector.broadcast %slice3A_47 : vector<2048x1xf32> to vector<2048x2048xf32>
    %min3A_53 = vector.broadcast %min3A_22 : vector<1x2048xf32> to vector<2048x2048xf32>
    %min3A_54 = arith.minimumf %min3A_52, %min3A_53 : vector<2048x2048xf32>
    %max3A_55 = vector.broadcast %slice3A : vector<2048x1xf32> to vector<2048x2048xf32>
    %max3A_56 = vector.broadcast %min3A_4 : vector<1x2048xf32> to vector<2048x2048xf32>
    %max3A_57 = arith.maximumf %max3A_55, %max3A_56 : vector<2048x2048xf32>
    %sub3A_58 = arith.subf %min3A_54, %max3A_57 : vector<2048x2048xf32>
    %max3A_59 = arith.constant 0.000000e+00 : f32
    %max3A_60 = vector.broadcast %max3A_59 : f32 to vector<2048x2048xf32>
    %max3A_61 = arith.maximumf %sub3A_58, %max3A_60 : vector<2048x2048xf32>
    %min3A_62 = vector.broadcast %slice3A_48 : vector<2048x1xf32> to vector<2048x2048xf32>
    %min3A_63 = vector.broadcast %min3A_31 : vector<1x2048xf32> to vector<2048x2048xf32>
    %min3A_64 = arith.minimumf %min3A_62, %min3A_63 : vector<2048x2048xf32>
    %max3A_65 = vector.broadcast %slice3A_46 : vector<2048x1xf32> to vector<2048x2048xf32>
    %max3A_66 = vector.broadcast %min3A_13 : vector<1x2048xf32> to vector<2048x2048xf32>
    %max3A_67 = arith.maximumf %max3A_65, %max3A_66 : vector<2048x2048xf32>
    %sub3A_68 = arith.subf %min3A_64, %max3A_67 : vector<2048x2048xf32>
    %max3A_69 = arith.constant 0.000000e+00 : f32
    %max3A_70 = vector.broadcast %max3A_69 : f32 to vector<2048x2048xf32>
    %max3A_71 = arith.maximumf %sub3A_68, %max3A_70 : vector<2048x2048xf32>
    %mul3A_72 = arith.mulf %max3A_61, %max3A_71 : vector<2048x2048xf32>
    %add3A = vector.broadcast %mul3A_51 : vector<2048x1xf32> to vector<2048x2048xf32>
    %add3A_73 = vector.broadcast %mul3A : vector<1x2048xf32> to vector<2048x2048xf32>
    %add3A_74 = arith.addf %add3A, %add3A_73 : vector<2048x2048xf32>
    %sub3A_75 = arith.subf %add3A_74, %mul3A_72 : vector<2048x2048xf32>
    %add3A_76 = arith.constant 9.99999971E-10 : f32
    %add3A_77 = vector.broadcast %add3A_76 : f32 to vector<2048x2048xf32>
    %add3A_78 = arith.addf %sub3A_75, %add3A_77 : vector<2048x2048xf32>
    %div3A = arith.divf %mul3A_72, %add3A_78 : vector<2048x2048xf32>
    %gt3A = arith.constant 0.699999988 : f32
    %gt3A_79 = vector.broadcast %gt3A : f32 to vector<2048x2048xf32>
    %gt3A_80 = arith.cmpf ogt, %div3A, %gt3A_79 : vector<2048x2048xf32>
    %lt3A = arith.cmpi slt, %iota3A, %iota3A_45 : vector<2048x2048xi32>
    %and3A_81 = arith.andi %gt3A_80, %lt3A : vector<2048x2048xi1>
    %convert_element_type3A_82 = arith.extui %and3A_81 : vector<2048x2048xi1> to vector<2048x2048xi32>
    %convert_element_type3A_83 = arith.sitofp %convert_element_type3A_82 : vector<2048x2048xi32> to vector<2048x2048xf32>
    %convert_element_type3A_84 = arith.truncf %convert_element_type3A_83 : vector<2048x2048xf32> to vector<2048x2048xbf16>
    %convert_element_type3A_85 = arith.truncf %convert_element_type3A_44 : vector<1x2048xf32> to vector<1x2048xbf16>
    %while3A = arith.constant true
    %while3A_86:2 = scf.while (%while3A_154 = %convert_element_type3A_85, %while3A_155 = %while3A) : (vector<1x2048xbf16>, i1) -> (vector<1x2048xbf16>, i1) {
      scf.condition(%while3A_155) %while3A_154, %while3A_155 : vector<1x2048xbf16>, i1
    } do {
    ^bb0(%while3A_154: vector<1x2048xbf16>, %while3A_155: i1):
      %dot_general3A_156 = arith.constant dense<0.000000e+00> : vector<1x2048xf32>
      %dot_general3A_157 = tpu.matmul %while3A_154, %convert_element_type3A_84, %dot_general3A_156 {dimension_numbers = #tpu.dot_dimension_numbers<[1], [0], [0], [1], [0, 0, 1, 1], [], []>, transpose_lhs_hint = false} : vector<1x2048xbf16>, vector<2048x2048xbf16>, vector<1x2048xf32> -> vector<1x2048xf32>
      %gt3A_158 = arith.constant 5.000000e-01 : f32
      %gt3A_159 = vector.broadcast %gt3A_158 : f32 to vector<1x2048xf32>
      %gt3A_160 = arith.cmpf ogt, %dot_general3A_157, %gt3A_159 : vector<1x2048xf32>
      %jit3A_161 = arith.constant 0.000000e+00 : bf16
      %broadcast_in_dim3A_162 = vector.broadcast %jit3A_161 : bf16 to vector<1x2048xbf16>
      %select_n3A_163 = arith.select %gt3A_160, %broadcast_in_dim3A_162, %convert_element_type3A_85 : vector<1x2048xi1>, vector<1x2048xbf16>
      %convert_element_type3A_164 = arith.extf %select_n3A_163 : vector<1x2048xbf16> to vector<1x2048xf32>
      %convert_element_type3A_165 = arith.extf %while3A_154 : vector<1x2048xbf16> to vector<1x2048xf32>
      %sub3A_166 = arith.subf %convert_element_type3A_164, %convert_element_type3A_165 : vector<1x2048xf32>
      %abs3A = math.absf %sub3A_166 : vector<1x2048xf32>
      %reduce_sum3A_167 = vector.shape_cast %abs3A : vector<1x2048xf32> to vector<1x1x2048xf32>
      %reduce_sum3A_168 = arith.constant dense<0.000000e+00> : vector<1xf32>
      %reduce_sum3A_169 = vector.multi_reduction <add>, %reduce_sum3A_167, %reduce_sum3A_168 [1, 2] : vector<1x1x2048xf32> to vector<1xf32>
      %reduce_sum3A_170 = vector.shape_cast %reduce_sum3A_169 : vector<1xf32> to vector<1x1x1xf32>
      %reduce_sum3A_171 = vector.extract %reduce_sum3A_170[0, 0, 0] : f32 from vector<1x1x1xf32>
      %gt3A_172 = arith.constant 5.000000e-01 : f32
      %gt3A_173 = arith.cmpf ogt, %reduce_sum3A_171, %gt3A_172 : f32
      scf.yield %select_n3A_163, %gt3A_173 : vector<1x2048xbf16>, i1
    }
    %convert_element_type3A_87 = arith.extf %while3A_86#0 : vector<1x2048xbf16> to vector<1x2048xf32>
    %sub3A_88 = arith.constant 1.000000e+00 : f32
    %sub3A_89 = vector.broadcast %sub3A_88 : f32 to vector<1x2048xf32>
    %sub3A_90 = arith.subf %sub3A_89, %convert_element_type3A_87 : vector<1x2048xf32>
    %mul3A_91 = arith.mulf %convert_element_type3A_44, %sub3A_90 : vector<1x2048xf32>
    %sub3A_92 = arith.constant 1.000000e+00 : f32
    %sub3A_93 = vector.broadcast %sub3A_92 : f32 to vector<1x2048xf32>
    %sub3A_94 = arith.subf %sub3A_93, %convert_element_type3A_44 : vector<1x2048xf32>
    %reduce_sum3A = vector.shape_cast %convert_element_type3A_87 : vector<1x2048xf32> to vector<1x1x2048xf32>
    %reduce_sum3A_95 = arith.constant dense<0.000000e+00> : vector<1xf32>
    %reduce_sum3A_96 = vector.multi_reduction <add>, %reduce_sum3A, %reduce_sum3A_95 [1, 2] : vector<1x1x2048xf32> to vector<1xf32>
    %reduce_sum3A_97 = vector.shape_cast %reduce_sum3A_96 : vector<1xf32> to vector<1x1x1xf32>
    %reduce_sum3A_98 = vector.extract %reduce_sum3A_97[0, 0, 0] : f32 from vector<1x1x1xf32>
    %reduce_sum3A_99 = vector.shape_cast %mul3A_91 : vector<1x2048xf32> to vector<1x1x2048xf32>
    %reduce_sum3A_100 = arith.constant dense<0.000000e+00> : vector<1xf32>
    %reduce_sum3A_101 = vector.multi_reduction <add>, %reduce_sum3A_99, %reduce_sum3A_100 [1, 2] : vector<1x1x2048xf32> to vector<1xf32>
    %reduce_sum3A_102 = vector.shape_cast %reduce_sum3A_101 : vector<1xf32> to vector<1x1x1xf32>
    %reduce_sum3A_103 = vector.extract %reduce_sum3A_102[0, 0, 0] : f32 from vector<1x1x1xf32>
    %lt3A_104 = arith.cmpi slt, %iota3A, %iota3A_45 : vector<2048x2048xi32>
    %convert_element_type3A_105 = arith.extui %lt3A_104 : vector<2048x2048xi1> to vector<2048x2048xi32>
    %convert_element_type3A_106 = arith.sitofp %convert_element_type3A_105 : vector<2048x2048xi32> to vector<2048x2048xf32>
    %convert_element_type3A_107 = arith.truncf %convert_element_type3A_106 : vector<2048x2048xf32> to vector<2048x2048xbf16>
    %concatenate3A_108 = tpu.concatenate %convert_element_type3A_87, %mul3A_91, %sub3A_94 in 0 : vector<1x2048xf32>, vector<1x2048xf32>, vector<1x2048xf32> -> vector<3x2048xf32>
    %convert_element_type3A_109 = arith.truncf %concatenate3A_108 : vector<3x2048xf32> to vector<3x2048xbf16>
    %dot_general3A = arith.constant dense<0.000000e+00> : vector<3x2048xf32>
    %dot_general3A_110 = tpu.matmul %convert_element_type3A_109, %convert_element_type3A_107, %dot_general3A {dimension_numbers = #tpu.dot_dimension_numbers<[1], [0], [0], [1], [0, 0, 1, 1], [], []>, transpose_lhs_hint = false} : vector<3x2048xbf16>, vector<2048x2048xbf16>, vector<3x2048xf32> -> vector<3x2048xf32>
    %slice3A_111 = vector.extract_strided_slice %dot_general3A_110 {offsets = [0, 0], sizes = [1, 2048], strides = [1, 1]} : vector<3x2048xf32> to vector<1x2048xf32>
    %mul3A_112 = arith.mulf %convert_element_type3A_87, %slice3A_111 : vector<1x2048xf32>
    %slice3A_113 = vector.extract_strided_slice %dot_general3A_110 {offsets = [1, 0], sizes = [1, 2048], strides = [1, 1]} : vector<3x2048xf32> to vector<1x2048xf32>
    %add3A_114 = vector.broadcast %reduce_sum3A_98 : f32 to vector<1x2048xf32>
    %add3A_115 = arith.addf %add3A_114, %slice3A_113 : vector<1x2048xf32>
    %mul3A_116 = arith.mulf %mul3A_91, %add3A_115 : vector<1x2048xf32>
    %add3A_117 = arith.addf %mul3A_112, %mul3A_116 : vector<1x2048xf32>
    %add3A_118 = arith.addf %reduce_sum3A_98, %reduce_sum3A_103 : f32
    %slice3A_119 = vector.extract_strided_slice %dot_general3A_110 {offsets = [2, 0], sizes = [1, 2048], strides = [1, 1]} : vector<3x2048xf32> to vector<1x2048xf32>
    %add3A_120 = vector.broadcast %add3A_118 : f32 to vector<1x2048xf32>
    %add3A_121 = arith.addf %add3A_120, %slice3A_119 : vector<1x2048xf32>
    %mul3A_122 = arith.mulf %sub3A_94, %add3A_121 : vector<1x2048xf32>
    %add3A_123 = arith.addf %add3A_117, %mul3A_122 : vector<1x2048xf32>
    %is_finite3A_124 = tpu.weird %select_n3A : vector<1x2048xf32> -> vector<1x2048xi1>
    %is_finite3A_125 = arith.constant dense<true> : vector<1x2048xi1>
    %is_finite3A_126 = arith.xori %is_finite3A_124, %is_finite3A_125 : vector<1x2048xi1>
    %jit3A_127 = arith.constant 0.000000e+00 : f32
    %broadcast_in_dim3A_128 = vector.broadcast %jit3A_127 : f32 to vector<1x2048xf32>
    %select_n3A_129 = arith.select %is_finite3A_126, %select_n3A, %broadcast_in_dim3A_128 : vector<1x2048xi1>, vector<1x2048xf32>
    %broadcast_in_dim3A_130 = arith.constant 0.000000e+00 : f32
    %broadcast_in_dim3A_131 = vector.broadcast %broadcast_in_dim3A_130 : f32 to vector<3x2048xf32>
    %concatenate3A_132 = tpu.concatenate %min3A_4, %min3A_13, %min3A_22, %min3A_31, %select_n3A_129, %broadcast_in_dim3A_131 in 0 : vector<1x2048xf32>, vector<1x2048xf32>, vector<1x2048xf32>, vector<1x2048xf32>, vector<1x2048xf32>, vector<3x2048xf32> -> vector<8x2048xf32>
    %iota3A_133 = tpu.iota {dimensions = array<i32: 0>} : vector<1024x2048xi32>
    %convert_element_type3A_134 = arith.sitofp %iota3A_133 : vector<1024x2048xi32> to vector<1024x2048xf32>
    %eq3A = vector.broadcast %add3A_123 : vector<1x2048xf32> to vector<1024x2048xf32>
    %eq3A_135 = arith.cmpf oeq, %convert_element_type3A_134, %eq3A : vector<1024x2048xf32>
    %convert_element_type3A_136 = arith.extui %eq3A_135 : vector<1024x2048xi1> to vector<1024x2048xi32>
    %convert_element_type3A_137 = arith.sitofp %convert_element_type3A_136 : vector<1024x2048xi32> to vector<1024x2048xf32>
    %dot_general3A_138 = arith.constant dense<0.000000e+00> : vector<1024x8xf32>
    %dot_general3A_139 = tpu.matmul %convert_element_type3A_137, %concatenate3A_132, %dot_general3A_138 {dimension_numbers = #tpu.dot_dimension_numbers<[1], [1], [0], [0], [0, 0, 1, 0], [], []>, precision = #tpu.contract_precision<fp32>, transpose_lhs_hint = false} : vector<1024x2048xf32>, vector<8x2048xf32>, vector<1024x8xf32> -> vector<1024x8xf32>
    %iota3A_140 = tpu.iota {dimensions = array<i32: 0>} : vector<1024x8xi32>
    %iota3A_141 = tpu.iota {dimensions = array<i32: 1>} : vector<1024x8xi32>
    %eq3A_142 = arith.constant 4 : i32
    %eq3A_143 = vector.broadcast %eq3A_142 : i32 to vector<1024x8xi32>
    %eq3A_144 = arith.cmpi eq, %iota3A_141, %eq3A_143 : vector<1024x8xi32>
    %convert_element_type3A_145 = arith.sitofp %iota3A_140 : vector<1024x8xi32> to vector<1024x8xf32>
    %ge3A_146 = vector.broadcast %reduce_sum3A_98 : f32 to vector<1024x8xf32>
    %ge3A_147 = arith.cmpf oge, %convert_element_type3A_145, %ge3A_146 : vector<1024x8xf32>
    %and3A_148 = arith.andi %eq3A_144, %ge3A_147 : vector<1024x8xi1>
    %jit3A_149 = arith.constant 0xFF800000 : f32
    %broadcast_in_dim3A_150 = vector.broadcast %jit3A_149 : f32 to vector<1024x8xf32>
    %select_n3A_151 = arith.select %and3A_148, %broadcast_in_dim3A_150, %dot_general3A_139 : vector<1024x8xi1>, vector<1024x8xf32>
    %swap3A = arith.constant 0 : index
    %swap3A_152 = arith.constant 0 : index
    %swap3A_153 = vector.load %arg2[%swap3A, %swap3A_152] : memref<1024x8xf32, #tpu.memory_space<vmem>>, vector<1024x8xf32>
    tpu.vector_store %arg2[%swap3A, %swap3A_152], %select_n3A_151 {strides = array<i32>} : memref<1024x8xf32, #tpu.memory_space<vmem>>, vector<1024x8xf32>,
    return
  }
}

</mosaic_0001>

<sc_bundles>
// kernel: gather_offload_async_start
scs
__scs_entry_jumppad:
0x0: {  	(pc) =	sbr.rel $0x88, $3  }
0x1: {  	(tag) =	ssettag $0x0;
	lr =	simm.s32 $0x1  }
0x2: {  	[smem:$0x3F9F] =	sst lr;
	_ =	strace $0xD0000000  }
0x3: {  	_ = 	snop  }
0x4: {  	_ = 	snop  }
0x5: {  	_ = 	snop  }
0x6: {  	_ = 	snop  }
0x7: {  	_ = 	snop  }
__scs_overlays_trampoline_lowered:
0x8: {  	[smem:$0x3FAE] =	sst s0  }
0x9: {  	[smem:$0x3FAF] =	sst s1  }
0xa: {  	[smem:$0x3FB0] =	sst s2  }
0xb: {  	[smem:$0x3FB1] =	sst s3  }
0xc: {  	[smem:$0x3FB2] =	sst s4  }
0xd: {  	[smem:$0x3FB3] =	sst s5  }
0xe: {  	[smem:$0x3FB4] =	sst s6  }
0xf: {  	[smem:$0x3FB5] =	sst s7  }
0x10: {  	[smem:$0x3FB6] =	sst s8  }
0x11: {  	[smem:$0x3FB7] =	sst s9;
	s0 =	simm.s32 @!p0 $0x0  }
0x12: {  	s1 =	sld [smem:$0x3F9D];
	s0 =	simm.s32 @p0 $0x1  }
0x13: {  	[smem:$0x3FB8] =	sst s0;
	s0 =	simm.s32 @!p1 $0x0  }
0x14: {  	s2 =	sld [smem:$0x3F9C];
	s0 =	simm.s32 @p1 $0x1  }
0x15: {  	[smem:$0x3FB9] =	sst s0;
	s0 =	simm.s32 @!p2 $0x0  }
0x16: {  	s3 =	sld [smem:$0x3FDB];
	s0 =	simm.s32 @p2 $0x1  }
0x17: {  	s4 =	simm.s32 $0x1BF5;
	[smem:$0x3FBB] =	sst s0  }
0x18: {  	s0 =	sld [smem:$0x3F9E];
	_ =	swait.ge [sflag:s4], $0x0  }
0x19: {  	s7 =	sld [smem:$0x3F9F]  }
0x1a: {  	s8 =	sadd.s32 $0xFFFFE003, lr  }
0x1b: {  	s9 =	sadd.s32 $0xFFFFFEF7, lr;
	s5 =	simm.s32 $0xFFFFFFFF;
	p2 =	slt.u32 s8, $0xFFFFF086  }
0x1c: {  	p1 =	slt.u32 s9, $0xF7A;
	s5 =	simm.s32 @!p2 $0x0  }
0x1d: {  	s5 =	simm.s32 @p1 $0x1;
	p0 =	seq.s32 s7, s2  }
0x1e: {  	s7 =	smul.u32 @!p0 $0xF7A, s2;
	p2 =	seq.s32 @!p0 s5, $0x0  }
0x1f: {  	s9 =	smul.u32 $0xF7A, s1;
	s8 =	simm.s32 @!p0 $0x1BF5;
	p2 =	por !p2, p0  }
0x20: {  	[sflag:s8] =	ssyncset.s32 @!p0 $0xFFFFF086;
	s6 =	sadd.s32 @!p0 s3, s7;
	s7 =	simm.s32 @!p0 $0x108  }
0x21: {  	s3 =	sadd.s32 s3, s9;
	s6 =	sadd.s32 @!p0 $0x88, s6;
	s7 =	simm.s32 @p2 $0x1082  }
0x22: {  	[simem:s7], [sflag:s8] =	dma.local @!p0 [hbm:s6], $0xF7A  }
0x23: {  	s9 =	sor.u32 $0xD0000000, s2;
	s6 =	simm.s32 $0x108;
	_ =	swait.ge @!p0 [sflag:s8], $0x0  }
0x24: {  	s3 =	sadd.s32 $0x88, s3;
	s6 =	simm.s32 @!p1 $0x1082;
	[sflag:s4] =	ssyncset.s32 $0xFFFFF086  }
0x25: {  	[simem:s6], [sflag:s4] =	dma.local [hbm:s3], $0xF7A  }
0x26: {  	[smem:$0x3F9F] =	sst s1;
	(tag) =	ssettag s2;
	_ =	strace s9  }
0x27: {  	s1 =	sld [smem:$0x3FAF]  }
0x28: {  	s2 =	sld [smem:$0x3FB0]  }
0x29: {  	s4 =	sld [smem:$0x3FB2]  }
0x2a: {  	p0 =	seq.s32 s5, $0x0;
	s5 =	sld [smem:$0x3FB3]  }
0x2b: {  	s6 =	sld [smem:$0x3FB4]  }
0x2c: {  	s7 =	sld [smem:$0x3FB5]  }
0x2d: {  	s3 =	simm.s32 $0x108;
	s8 =	sld [smem:$0x3FB6]  }
0x2e: {  	s3 =	simm.s32 @!p0 $0x1082;
	s9 =	sld [smem:$0x3FB7]  }
0x2f: {  	lr =	sadd.s32 s0, s3;
	s0 =	sld [smem:$0x3FAE]  }
0x30: {  	s3 =	sld [smem:$0x3FB1]  }
0x31: {  	[smem:$0x3FBA] =	sst s10  }
0x32: {  	s10 =	sld [smem:$0x3FB8];
	_ =	sdelay $0x3  }
0x33: {  	p0 =	seq.s32 s10, $0x1;
	s10 =	sld [smem:$0x3FBA];
	_ =	sdelay $0x3  }
0x34: {  	[smem:$0x3FBA] =	sst s10  }
0x35: {  	s10 =	sld [smem:$0x3FB9];
	_ =	sdelay $0x3  }
0x36: {  	p1 =	seq.s32 s10, $0x1;
	s10 =	sld [smem:$0x3FBA];
	_ =	sdelay $0x3  }
0x37: {  	[smem:$0x3FBA] =	sst s10  }
0x38: {  	s10 =	sld [smem:$0x3FBB]  }
0x39: {  	_ = 	snop;
	(pc) =	sbr.ind lr, $3  }
0x3a: {  	_ = 	snop  }
0x3b: {  	_ = 	snop  }
0x3c: {  	p2 =	seq.s32 s10, $0x1;
	s10 =	sld [smem:$0x3FBA]  }
0x3d: {  	_ =	shalt  }
0x3e: {  	_ =	shalt  }
0x3f: {  	_ =	shalt  }
0x40: {  	_ =	shalt  }
0x41: {  	_ =	shalt  }
0x42: {  	_ =	shalt  }
0x43: {  	_ =	shalt  }
0x44: {  	_ =	shalt  }
0x45: {  	_ =	shalt  }
0x46: {  	_ =	shalt  }
0x47: {  	_ =	shalt  }
0x48: {  	_ =	shalt  }
0x49: {  	_ =	shalt  }
0x4a: {  	_ =	shalt  }
0x4b: {  	_ =	shalt  }
0x4c: {  	_ =	shalt  }
0x4d: {  	_ =	shalt  }
0x4e: {  	_ =	shalt  }
0x4f: {  	_ =	shalt  }
0x50: {  	_ =	shalt  }
0x51: {  	_ =	shalt  }
0x52: {  	_ =	shalt  }
0x53: {  	_ =	shalt  }
0x54: {  	_ =	shalt  }
0x55: {  	_ =	shalt  }
0x56: {  	_ =	shalt  }
0x57: {  	_ =	shalt  }
0x58: {  	_ =	shalt  }
0x59: {  	_ =	shalt  }
0x5a: {  	_ =	shalt  }
0x5b: {  	_ =	shalt  }
0x5c: {  	_ =	shalt  }
0x5d: {  	_ =	shalt  }
0x5e: {  	_ =	shalt  }
0x5f: {  	_ =	shalt  }
0x60: {  	_ =	shalt  }
0x61: {  	_ =	shalt  }
0x62: {  	_ =	shalt  }
0x63: {  	_ =	shalt  }
0x64: {  	_ =	shalt  }
0x65: {  	_ =	shalt  }
0x66: {  	_ =	shalt  }
0x67: {  	_ =	shalt  }
0x68: {  	_ =	shalt  }
0x69: {  	_ =	shalt  }
0x6a: {  	_ =	shalt  }
0x6b: {  	_ =	shalt  }
0x6c: {  	_ =	shalt  }
0x6d: {  	_ =	shalt  }
0x6e: {  	_ =	shalt  }
0x6f: {  	_ =	shalt  }
0x70: {  	_ =	shalt  }
0x71: {  	_ =	shalt  }
0x72: {  	_ =	shalt  }
0x73: {  	_ =	shalt  }
0x74: {  	_ =	shalt  }
0x75: {  	_ =	shalt  }
0x76: {  	_ =	shalt  }
0x77: {  	_ =	shalt  }
0x78: {  	_ =	shalt  }
0x79: {  	_ =	shalt  }
0x7a: {  	_ =	shalt  }
0x7b: {  	_ =	shalt  }
0x7c: {  	_ =	shalt  }
0x7d: {  	_ =	shalt  }
0x7e: {  	_ =	shalt  }
0x7f: {  	_ =	shalt  }
0x80: {  	_ =	shalt  }
0x81: {  	_ =	shalt  }
0x82: {  	_ =	shalt  }
0x83: {  	_ =	shalt  }
0x84: {  	_ =	shalt  }
0x85: {  	_ =	shalt  }
0x86: {  	_ =	shalt  }
0x87: {  	_ =	shalt  }
.Lfunc_end0:
.L_simem_size_0:
called_computation_lowered:
.L_overlay_start_0:
0x88: {  	s0 =	sld [smem:$0x3FD9]  }
0x89: {  	s1 =	sld [smem:$0x3FFE];
	_ =	sdelay $0x3  }
0x8a: {  	s0 =	sadd.s32 s1, s0  }
0x8b: {  	[smem:$0x3FC6] =	sst s0  }
0x8c: {  	_ = 	snop  }
0x8d: {  	s0 =	sld [smem:$0x3FD0];
	_ =	sdelay $0x2  }
0x8e: {  	s13 =	simm.s32 $0xA;
	s2 =	simm.s32 $0x10  }
0x8f: {  	[smem:s2], [sflag:s13] =	dma.local [hbm:s0], $0x1  }
0x90: {  	_ =	swait.eq [sflag:s13], $0x1  }
0x91: {  	[sflag:s13] =	ssyncset.done $0x0  }
0x92: {  	[sflag:s13] =	ssyncadd.s32 $0xFFFFFFFF  }
0x93: {  	s14 =	sld [smem:$0x10];
	(tm) =	ssettm $0x1  }
0x94: {  	s15 =	sld [smem:$0x3FFB];
	_ =	sdelay $0x3  }
0x95: {  	_ =	strace s15  }
0x96: {  	s1 =	sld [smem:$0x3FFC];
	_ =	sdelay $0x3  }
0x97: {  	_ =	strace s1  }
0x98: {  	s1 =	sld [smem:$0x3FFD];
	_ =	sdelay $0x3  }
0x99: {  	_ =	strace s1  }
0x9a: {  	_ =	strace $0x8FFFFFFF  }
0x9b: {  	s16 =	sld [smem:$0x3FDB];
	_ =	sdelay $0x1  }
0x9c: {  	s17 =	simm.s32 $_scs_section_size  }
0x9d: {  	s3 =	simm.s32 $_size__tile_overlayer_lowered;
	s4 =	simm.s32 $_tile_overlayer_lowered  }
0x9e: {  	s20 =	simm.s32 $0x1BFF;
	s19 =	sshll.u32 s4, $0x1;
	s1 =	sadd.s32 s17, s16  }
0x9f: {  	s5 =	simm.s32 $0x0;
	s18 =	sshll.u32 s3, $0x1;
	s3 =	sadd.s32 s19, s1  }
0xa0: {  	[timem:s5], [sflag:s20] =	dma.local [hbm:s3], s18  }
0xa1: {  	_ =	swait.ge [sflag:s20], s18  }
0xa2: {  	s2 =	ssub.s32 $0x0, s18;
	[sflag:s20] =	ssyncset.done $0x0  }
0xa3: {  	[sflag:s20] =	ssyncadd.s32 s2;
	_ =	sdelay $0x1  }
0xa4: {  	s21 =	simm.s32 $0x1B8B  }
0xa5: {  	_ =	swait.ge [sflag:s21], $0x1  }
0xa6: {  	[sflag:s21] =	ssyncset.done $0x0  }
0xa7: {  	s23 =	simm.s32 $0x1B8E;
	s22 =	sld [smem:$0x3FFE];
	[sflag:s21] =	ssyncadd.s32 $0xFFFFFFFF  }
0xa8: {  	s24 =	simm.s32 $execute0_lowered;
	[smem:$0x3FD2] =	sst s23  }
0xa9: {  	s3 =	sshll.u32 s24, $0x1;
	_ =	strace $0x80000046;
	[dreg:$0x1] =	wrdreg $0xFFFFFFFF  }
0xaa: {  	s25 =	simm.s32 $_size_execute0_lowered;
	s1 =	sadd.s32 s1, s3;
	[dreg:$0x0] =	wrdreg $0x0  }
0xab: {  	s3 =	sshll.u32 s25, $0x1;
	[dreg:$0x2] =	wrdreg s1  }
0xac: {  	[dreg:$0x3] =	wrdreg s3  }
0xad: {  	[dreg:$0x4] =	wrdreg $0xC0  }
0xae: {  	_ =	task [dreg:s5], $0x5FFFF  }
0xaf: {  	[dreg:$0x1] =	wrdreg $0xFFFFFFFF  }
0xb0: {  	[dreg:$0x0] =	wrdreg $0x60  }
0xb1: {  	[dreg:$0x2] =	wrdreg s22  }
0xb2: {  	[dreg:$0x3] =	wrdreg s14  }
0xb3: {  	[dreg:$0x4] =	wrdreg $0x9  }
0xb4: {  	_ =	task.clear_ibuf [dreg:s5], $0x5FFFF;
	_ =	strace $0x90000046  }
0xb5: {  	s26 =	simm.s32 $0x9;
	_ =	strace $0x80000048  }
0xb6: {  	_ =	swait.ge [sflag:s26], $0x1  }
0xb7: {  	[sflag:s26] =	ssyncadd.s32 $0xFFFFFFFF  }
0xb8: {  	_ =	strace $0x90000048  }
0xb9: {  	_ =	sfence  }
0xba: {  	s28 =	sld [smem:$0x0];
	_ =	sdelay $0x1  }
0xbb: {  	s29 =	srdreg.scid  }
0xbc: {  	s30 =	sshll.u32 s29, $0xD;
	s31 =	sshrl.u32 s29, $0x2  }
0xbd: {  	s2 =	sand.u32 $0x4000, s30;
	s1 =	sand.u32 $0x1, s29;
	s0 =	sadd.s32 s31, s28  }
0xbe: {  	s1 =	sor.u32 s2, s1;
	s0 =	sshll.u32 s0, $0x11  }
0xbf: {  	s0 =	sor.u32 s0, s1  }
0xc0: {  	s0 =	sadd.s32 $0x8F2B, s0  }
0xc1: {  	[sflag:s0] =	ssyncadd.remote.s32 $0x1  }
0xc2: {  	_ =	sfence.sel $0xFFFF  }
0xc3: {  	[dreg:$0x0] =	wrdreg $0xFFFFFFFF;
	(pc) =	sbr.abs _section_cstart, $3  }
0xc4: {  	[dreg:$0x1] =	wrdreg $0xFFFFFFFF  }
0xc5: {  	_ =	task.clear_ibuf [dreg:s5], $0x2FFFF;
	_ =	strace $0x9FFFFFFF  }
0xc6: {  	(tm) =	ssettm $0x7FFFFFFF  }
0xc7: {  	_ =	shalt  }
tec
execute0_lowered:
.L_overlay_start_1:
0x0: {  	(tag) =	ssettag $0x1  }
0x1: {  	s0 =	stileid.u32  }
0x2: {  	s1 =	smin.u32 s0, $0x9  }
0x3: {  	s1 =	sadd.s32 s0, s1  }
0x4: {  	s2 =	simm.s32 $0xA0;
	p0 =	slt.u32 s0, $0x9;
	s1 =	smul.u32 $0x50, s1  }
0x5: {  	s2 =	simm.s32 @!p0 $0x50  }
0x6: {  	s2 =	sadd.s32 s2, s1  }
0x7: {  	s3 =	smin.u32 s2, $0x7D0  }
0x8: {  	s7 =	ssub.s32 s3, s1  }
0x9: {  	p0 =	sgt.s32 s7, $0x0  }
0xa: {  	s7 =	simm.s32 @!p0 $0x0  }
0xb: {  	s4 =	rddreg [dreg:$0x0];
	s31 =	smul.u32 $0xCCCD, s7  }
0xc: {  	s5 =	rddreg [dreg:$0x1]  }
0xd: {  	s6 =	simm.s32 $0x1;
	s10 =	simm.s32 $0x3;
	s8 =	sshrl.u32 s31, $0x16  }
0xe: {  	s13 =	simm.s32 $0x0;
	s12 =	simm.s32 $0x0;
	s9 =	smul.u32 $0x50, s8  }
.Ltmp0:
0xf: {  	s11 =	smov.u32 s1;
	s2 =	rddreg [dreg:$0x2];
	(pc) =	sbr.rel .LBB2_1-.Ltmp0, $4  }
0x10: {  	_ =	strace $0x80000047;
	p0 =	sne.s32 s7, s9;
	s9 =	simm.s32 $0x1  }
0x11: {  	[sflag:s6] =	ssyncpa.u1 $0x0;
	s7 =	simm.s32 $0x2;
	s9 =	simm.s32 @!p0 $0x0  }
0x12: {  	[sflag:s7] =	ssyncpa.u1 $0x0;
	p0 =	por $0x0, $0x0;
	s8 =	sadd.s32 s8, s9  }
0x13: {  	vm0 =	vmmov $0xff;
	vm1 =	vcmask $0x3F20;
	s9 =	sadd.s32 $0x4E200, s4;
	[sflag:s10] =	ssyncpa.u1 $0x0;
	s10 =	sadd.s32 $0x1, s8  }
.LBB2_6:
0x14: {  	[hbm:s17] =	stream.linear.scatter [tilespmem:s14], [sflag:$0x3], $0x400, $0x38;
	[tilespmem:$0x50A0] =	vst v63  }
.LBB2_7:
0x15: {  	s13 =	sadd.s32 $0x50, s11  }
0x16: {  	s15 =	smov.u32 s1;
	p2 =	slt.s32 s13, s3  }
0x17: {  	s15 =	smov.u32 @p2 s13;
	p2 =	sne.s32 s12, s10  }
.Ltmp1:
0x18: {  	p1 =	slt.u32 s12, $0x2;
	(pc) =	sbr.rel @!p2 .LBB2_8-.Ltmp1, $4  }
0x19: {  	s14 =	simm.s32 @!p1 $0x3  }
0x1a: {  	s16 =	sadd.s32 $0x1, s12;
	_ =	swait.ge @!p1 [sflag:s14], $0x2800  }
0x1b: {  	p0 =	por !p0, !p0;
	s13 =	smov.u32 s11;
	[sflag:s14] =	ssyncset.done @!p1 $0x0  }
0x1c: {  	s12 =	smov.u32 s16;
	s11 =	smov.u32 s15;
	[sflag:s14] =	ssyncadd.s32 @!p1 $0xFFFFD800  }
.LBB2_1:
0x1d: {  	p1 =	sge.u32 s12, s8  }
0x1e: {  	s14 =	sxor.u32 @!p1 $0xFFFFFFFF, s12  }
0x1f: {  	s14 =	sand.u32 @!p1 $0x1, s14  }
0x20: {  	s14 =	smul.u32 @!p1 $0x140, s14  }
0x21: {  	s31 =	sadd.s32 $0xFFFFFFFF, s12;
	s15 =	sshrl.u32 @!p1 s11, $0x3  }
0x22: {  	s16 =	sand.u32 @!p1 $0x7, s11;
	s15 =	sadd.s32 @!p1 s5, s15;
	s14 =	sshrl.u32 @!p1 s14, $0x2  }
0x23: {  	[tilespmem:s14], [sflag:$0x2] =	stream.linear.gather @!p1 [hbm4b:s15+s16], $0x50, $0x38;
	[tilespmem:$0x50A0] =	vst v63  }
0x24: {  	p1 =	sge.u32 s31, s8  }
.Ltmp2:
0x25: {  	_ = 	snop;
	(pc) =	sbr.rel @p1 .LBB2_7-.Ltmp2, $1  }
0x26: {  	_ =	sdelay $0x3  }
0x27: {  	s14 =	simm.s32 $0x1  }
0x28: {  	s14 =	simm.s32 @!p0 $0x0  }
0x29: {  	s15 =	smul.u32 $0x140, s14  }
0x2a: {  	_ =	swait.ge [sflag:s7], $0x50  }
0x2b: {  	[sflag:s7] =	ssyncset.done $0x0;
	s16 =	sshrl.u32 s15, $0x2  }
0x2c: {  	[sflag:s7] =	ssyncadd.s32 $0xFFFFFFB0;
	s15 =	sadd.s32 $0x0, s16  }
0x2d: {  	v0 =	vld.msk [tilespmem:s15+$0x0 ss:$0x1], $0xffff;
	_ =	sdelay $0x4  }
0x2e: {  	vm2 =	vgt.s32 v0, $0x0  }
0x2f: {  	v0 =	vnsel vm2, $0x0, v0  }
0x30: {  	v0 =	vmin.u32 v0, $0x4E1F  }
0x31: {  	v0 =	vshll.u32 v0, $0x4  }
0x32: {  	s14 =	smul.u32 $0xA000, s14;
	_ =	sdelay $0x1  }
0x33: {  	s14 =	sshrl.u32 s14, $0x2  }
0x34: {  	s14 =	sor.u32 $0xA0, s14  }
0x35: {  	[tilespmem:s14], [sflag:$0x1] =	stream.indirect_vreg.gather [hbm:s4], $0x80, v0, vm0, $0x38;
	[tilespmem:$0x50A0] =	vst v63  }
0x36: {  	s17 =	sadd.s32 $0x10, s16;
	s15 =	sadd.s32 $0x400, s14  }
0x37: {  	[tilespmem:s15], [sflag:$0x1] =	stream.indirect_vreg.gather [hbm:s4], $0x80, v0, vm1, $0x38;
	[tilespmem:$0x50A0] =	vst v63  }
0x38: {  	s18 =	simm.s32 $0x80;
	v0 =	vld.msk [tilespmem:s17+$0x0 ss:$0x1], $0xffff;
	s17 =	smov.u32 s14  }
.LBB2_3:
0x39: {  	p1 =	sne.s32 s18, $0x100;
	_ =	sdelay $0x4  }
0x3a: {  	vm2 =	vgt.s32 v0, $0x0  }
0x3b: {  	v0 =	vnsel vm2, $0x0, v0  }
0x3c: {  	v0 =	vmin.u32 v0, $0x4E1F  }
0x3d: {  	v0 =	vshll.u32 v0, $0x4;
	_ =	sdelay $0x3  }
.Ltmp3:
0x3e: {  	s19 =	sshra.s32 s18, $0x2;
	s17 =	sadd.s32 $0x800, s17;
	(pc) =	sbr.rel @p1 .LBB2_3-.Ltmp3, $4  }
0x3f: {  	[tilespmem:s17], [sflag:$0x1] =	stream.indirect_vreg.gather [hbm:s4], $0x80, v0, vm0, $0x38;
	[tilespmem:$0x50A0] =	vst v63  }
0x40: {  	s19 =	sadd.s32 s19, s16;
	s20 =	sadd.s32 $0x400, s17  }
0x41: {  	[tilespmem:s20], [sflag:$0x1] =	stream.indirect_vreg.gather [hbm:s4], $0x80, v0, vm1, $0x38;
	[tilespmem:$0x50A0] =	vst v63  }
0x42: {  	s18 =	sadd.s32 $0x40, s18;
	v0 =	vld.msk [tilespmem:s19+$0x0 ss:$0x1], $0xffff  }
0x43: {  	_ =	sdelay $0x3  }
0x44: {  	vm2 =	vgt.s32 v0, $0x0  }
0x45: {  	v0 =	vnsel vm2, $0x0, v0  }
0x46: {  	v0 =	vmin.u32 v0, $0x4E1F  }
0x47: {  	v0 =	vshll.u32 v0, $0x4;
	_ =	sdelay $0x3  }
0x48: {  	s16 =	sadd.s32 $0x800, s17  }
0x49: {  	[tilespmem:s16], [sflag:$0x1] =	stream.indirect_vreg.gather [hbm:s4], $0x80, v0, vm0, $0x38;
	[tilespmem:$0x50A0] =	vst v63  }
0x4a: {  	s16 =	sadd.s32 $0x400, s16  }
0x4b: {  	[tilespmem:s16], [sflag:$0x1] =	stream.indirect_vreg.gather [hbm:s4], $0x80, v0, vm1, $0x38;
	[tilespmem:$0x50A0] =	vst v63  }
0x4c: {  	s13 =	sshll.u32 s13, $0x4;
	_ =	swait.ge [sflag:s6], $0x2800  }
0x4d: {  	s13 =	sadd.s32 s13, s9;
	[sflag:s6] =	ssyncset.done $0x0  }
0x4e: {  	s17 =	sadd.s32 $0x0, s13;
	s16 =	simm.s32 $0x80;
	[sflag:s6] =	ssyncadd.s32 $0xFFFFD800  }
.LBB2_5:
0x4f: {  	[hbm:s17] =	stream.linear.scatter [tilespmem:s14], [sflag:$0x3], $0x400, $0x38;
	[tilespmem:$0x50A0] =	vst v63  }
0x50: {  	s17 =	smov.u32 s16;
	s14 =	smov.u32 s15;
	p1 =	sne.s32 s16, $0x480  }
.Ltmp4:
0x51: {  	s16 =	sadd.s32 $0x80, s16;
	(pc) =	sbr.rel @p1 .LBB2_5-.Ltmp4, $2  }
0x52: {  	_ =	sdelay $0x2  }
0x53: {  	s15 =	sadd.s32 $0x400, s15;
	s17 =	sadd.s32 s17, s13  }
.Ltmp5:
0x54: {  	_ = 	snop;
	(pc) =	sbr.rel .LBB2_6-.Ltmp5, $1  }
0x55: {  	_ =	sdelay $0x3  }
.LBB2_8:
0x56: {  	_ =	sfence.sel $0x180000  }
0x57: {  	s1 =	simm.s32 $0x2;
	[bflag:$0x0] =	sbarrier.arrive $0xFFFF  }
0x58: {  	s30 =	simm.s32 $0x3;
	[sflag:s1] =	ssyncpa.u1 $0x1  }
0x59: {  	s31 =	simm.s32 $0x1;
	[sflag:s30] =	ssyncpa.u1 $0x1  }
0x5a: {  	[sflag:s31] =	ssyncpa.u1 $0x1  }
0x5b: {  	p0 =	sne.s32 s0, $0x0;
	_ =	strace $0x90000047  }
0x5c: {  	s0 =	sadd.s32 @!p0 $0x100000, s2;
	[bflag:$0x2] =	sbarrier.arrive $0xFFFF  }
0x5d: {  	[sflag:s0] =	ssyncadd.tile.s32 @!p0 $0x1;
	_ =	shalt  }
.Lfunc_end2:
_tile_overlayer_lowered:
.L_overlay_start_2:
0x5e: {  	(tag) =	ssettag $0x2  }
0x5f: {  	s0 =	rddreg [dreg:$0x0];
	s2 =	stileid.u32  }
0x60: {  	s1 =	rddreg [dreg:$0x1];
	p0 =	sne.s32 s2, $0x0  }
0x61: {  	s3 =	rddreg [dreg:$0x2];
	[bflag:$0x3] =	sbarrier.arrive $0xFFFF;
	s2 =	simm.s32 @!p0 $0x1C01  }
0x62: {  	[timem:s3], [sflag:s2] =	dma.local @!p0 [hbm:s0], s1  }
0x63: {  	s0 =	simm.s32 @!p0 $0x1  }
0x64: {  	_ =	swait.ge @!p0 [sflag:s0], s1  }
0x65: {  	s1 =	ssub.s32 @!p0 $0x0, s1;
	[sflag:s0] =	ssyncset.done @!p0 $0x0  }
0x66: {  	[sflag:s0] =	ssyncadd.s32 @!p0 s1  }
0x67: {  	[bflag:$0x3] =	sbarrier.arrive $0xFFFF  }
0x68: {  	_ =	shalt  }

</sc_bundles>
